<compile_context>
chip_gen: v7x
topology: tpu7x:2x2x1
jax: 0.10.2.dev20260603
libtpu: 0.0.44.dev20260713+nightly
codegen_flags: <defaults>
</compile_context>

<pallas_src>
import functools

import jax
import jax.numpy as jnp
import numpy as np
from jax.experimental import pallas as pl

_RC = 6.0
_BLOCK_I = 128


def _pair_kernel(pos_blk_ref, pos_t_ref, pos_flat_ref, aux_ref,
                 adj_ref, sft_ref, vec_ref, sod_ref, *, n, block_i, rc2):
    pid = pl.program_id(0)
    row0 = pid * block_i

    rows = row0 + jax.lax.broadcasted_iota(jnp.int32, (block_i, n), 0)
    cols = jax.lax.broadcasted_iota(jnp.int32, (block_i, n), 1)
    sod = jnp.zeros((block_i, n), jnp.float32)
    for c in range(3):
        pj = pos_t_ref[c:c + 1, :]
        pi = pos_blk_ref[:, c:c + 1]
        d = pj - pi
        f = d * aux_ref[2, 2 * c]
        s = -jnp.round(f)
        v = d + s * aux_ref[2, 2 * c + 1]
        sod = sod + v * v
    mask = (sod < rc2) & (rows != cols)
    adj_ref[...] = mask.astype(jnp.int32)
    sod_ref[...] = jnp.where(mask, sod, 0.0)

    pos_i = (pos_blk_ref[:, 0:1] * aux_ref[3:4, :] +
             pos_blk_ref[:, 1:2] * aux_ref[4:5, :] +
             pos_blk_ref[:, 2:3] * aux_ref[5:6, :])
    dv = pos_flat_ref[...] - pos_i
    f = dv * aux_ref[0:1, :]
    s = -jnp.round(f)
    v = dv + s * aux_ref[1:2, :]
    vsq = v * v
    ssum = vsq + jnp.roll(vsq, -1, axis=1) + jnp.roll(vsq, -2, axis=1)
    lane = jax.lax.broadcasted_iota(jnp.int32, (1, 3 * n), 1)
    is0 = (lane % 3) == 0
    sodg = jnp.where(is0, ssum, 0.0)
    sodr = sodg + jnp.roll(sodg, 1, axis=1) + jnp.roll(sodg, 2, axis=1)
    jg = lane // 3
    rows6 = row0 + jax.lax.broadcasted_iota(jnp.int32, (block_i, 1), 0)
    maskr = (sodr < rc2) & (jg != rows6)
    vec_ref[...] = jnp.where(maskr, v, 0.0)
    sft_ref[...] = jnp.where(maskr, s, 0.0).astype(jnp.int32)


def kernel(pos, cel):
    n = pos.shape[0]
    block_i = _BLOCK_I
    grid = n // block_i
    rc2 = np.float32(_RC * _RC)

    inv_cel = jnp.linalg.inv(cel)
    dinv = jnp.diagonal(inv_cel).astype(jnp.float32)
    dcel = jnp.diagonal(cel).astype(jnp.float32)

    pos_t = pos.T
    pos_flat = pos.reshape(1, 3 * n)
    aux0 = jnp.tile(dinv, n)[None, :]
    aux1 = jnp.tile(dcel, n)[None, :]
    scal = jnp.zeros((3 * n,), jnp.float32)
    scal = scal.at[0:6].set(jnp.stack([dinv[0], dcel[0], dinv[1], dcel[1],
                                       dinv[2], dcel[2]]).astype(jnp.float32))
    onehot = jnp.tile(jnp.eye(3, dtype=jnp.float32), (1, n))
    aux = jnp.concatenate([aux0, aux1, scal[None, :], onehot], axis=0)

    kfn = functools.partial(_pair_kernel, n=n, block_i=block_i, rc2=rc2)
    adj, sft_flat, vec_flat, sod = pl.pallas_call(
        kfn,
        grid=(grid,),
        in_specs=[
            pl.BlockSpec((block_i, 3), lambda i: (i, 0)),
            pl.BlockSpec((3, n), lambda i: (0, 0)),
            pl.BlockSpec((1, 3 * n), lambda i: (0, 0)),
            pl.BlockSpec((6, 3 * n), lambda i: (0, 0)),
        ],
        out_specs=[
            pl.BlockSpec((block_i, n), lambda i: (i, 0)),
            pl.BlockSpec((block_i, 3 * n), lambda i: (i, 0)),
            pl.BlockSpec((block_i, 3 * n), lambda i: (i, 0)),
            pl.BlockSpec((block_i, n), lambda i: (i, 0)),
        ],
        out_shape=[
            jax.ShapeDtypeStruct((n, n), jnp.int32),
            jax.ShapeDtypeStruct((n, 3 * n), jnp.int32),
            jax.ShapeDtypeStruct((n, 3 * n), jnp.float32),
            jax.ShapeDtypeStruct((n, n), jnp.float32),
        ],
    )(pos, pos_t, pos_flat, aux)

    return adj, sft_flat.reshape(n, n, 3), vec_flat.reshape(n, n, 3), sod

# --- scband reference (transcript-rebuilt; emitter-appended) ---
"""Pipeline reference for scband-set-adj-sft-spc-vec-sod-14766097563650 (READ-ONLY COPY).

The authoritative reference and input builder live on the scoring server;
editing this copy changes nothing except your own understanding.
"""

import jax, jax.numpy as jnp
import numpy as np

RC = 6.0
BOX = 30.0
N_ATOMS = 2048


def setup_inputs(seed: int = 0) -> dict:
    key = jax.random.key(seed)
    k1, k2 = jax.random.split(key)
    # fractional positions scaled to a cubic periodic cell (pool: CUSTOM / MD system)
    pos = jax.random.uniform(k1, (N_ATOMS, 3), dtype=jnp.float32) * BOX
    cel = BOX * jnp.eye(3, dtype=jnp.float32)
    return {"pos": pos, "cel": cel}


def reference(pos, cel):
    """Faithful jax translation of SetAdjSftSpcVecSod.forward for cut=[('coo', rc=6.0, set_vec_sod=True)].

    Original pipeline:
      adj = self.adj(pnt_ful(inp))            # periodic pair adjacency + integer cell shifts
      vec = pn.coo2_vec_sod(adj, pos, cel)    # vec = pos[j] - pos[i] + sft @ cel ; sod = |vec|^2
      adj_out, vec_out = pn.cutoff_coo2(adj, vec, rc)  # keep pairs with sod < rc^2
      out[nei_adj/nei_sft] = adj_out.adj/sft ; out[vec/sod] = vec_out.vec/sod

    rc (6.0) is < half the cell edge (30.0), so the periodic adjacency reduces exactly
    to the minimal-image convention: sft = -round((pos_j - pos_i) @ inv(cel)).
    Dynamic-shape edge compaction is represented as a static dense pair mask (adj),
    with vec/sod zeroed outside the cutoff (same retained values, static shapes).
    """
    rc = RC
    inv_cel = jnp.linalg.inv(cel)
    # pair displacement r_j - r_i  -> shape [N, N, 3]
    dvec = pos[None, :, :] - pos[:, None, :]
    frac = dvec @ inv_cel
    sft = -jnp.round(frac)                      # integer periodic shifts (minimal image)
    vec = dvec + sft @ cel                      # coo2_vec_sod: vec = pos[j] - pos[i] + sft @ cel
    sod = jnp.sum(vec * vec, axis=-1)           # squared distances
    n = pos.shape[0]
    eye = jnp.eye(n, dtype=bool)
    mask = (sod < rc * rc) & (~eye)             # cutoff_coo2 retention mask (excl. self pairs)
    adj = mask.astype(jnp.int32)                # nei_adj(coo, rc)
    sft_i = sft.astype(jnp.int32) * adj[..., None]   # nei_sft(coo, rc)
    vec_m = jnp.where(mask[..., None], vec, 0.0)     # p.vec(coo, rc)
    sod_m = jnp.where(mask, sod, 0.0)                # p.sod(coo, rc)
    return adj, sft_i, vec_m, sod_m

if __name__ == "__main__":
    import jax
    _d = setup_inputs()
    print(jax.jit(kernel)(*tuple(_d.values())))

</pallas_src>

<mosaic_0001>
module attributes {stable_mosaic.version = 14 : i64} {
  func.func @_pair_kernel(%arg0: i32, %arg1: memref<128x3xf32, #tpu.memory_space<vmem>>, %arg2: memref<3x2048xf32, #tpu.memory_space<vmem>>, %arg3: memref<1x6144xf32, #tpu.memory_space<vmem>>, %arg4: memref<6x6144xf32, #tpu.memory_space<vmem>>, %arg5: memref<128x2048xi32, #tpu.memory_space<vmem>>, %arg6: memref<128x6144xi32, #tpu.memory_space<vmem>>, %arg7: memref<128x6144xf32, #tpu.memory_space<vmem>>, %arg8: memref<128x2048xf32, #tpu.memory_space<vmem>>) attributes {dimension_semantics = [#tpu.dimension_semantics<arbitrary>], iteration_bounds = array<i64: 16>, scalar_prefetch = 0 : i64, scratch_operands = 0 : i64, tpu.core_type = #tpu.core_type<tc>, window_params = [{transform_indices = @transform_0, window_bounds = array<i64: 128, 3>}, {pipeline_mode = #tpu.pipeline_mode<synchronous>, transform_indices = @transform_1, window_bounds = array<i64: 3, 2048>}, {pipeline_mode = #tpu.pipeline_mode<synchronous>, transform_indices = @transform_2, window_bounds = array<i64: 1, 6144>}, {pipeline_mode = #tpu.pipeline_mode<synchronous>, transform_indices = @transform_3, window_bounds = array<i64: 6, 6144>}, {transform_indices = @transform_4, window_bounds = array<i64: 128, 2048>}, {transform_indices = @transform_5, window_bounds = array<i64: 128, 6144>}, {transform_indices = @transform_6, window_bounds = array<i64: 128, 6144>}, {transform_indices = @transform_7, window_bounds = array<i64: 128, 2048>}]} {
    %mul3A = arith.constant 128 : i32
    %mul3A_0 = arith.muli %arg0, %mul3A : i32
    %iota3A = tpu.iota {dimensions = array<i32: 0>} : vector<128x2048xi32>
    %add3A = vector.broadcast %mul3A_0 : i32 to vector<128x2048xi32>
    %add3A_1 = arith.addi %add3A, %iota3A : vector<128x2048xi32>
    %iota3A_2 = tpu.iota {dimensions = array<i32: 1>} : vector<128x2048xi32>
    %broadcast_in_dim3A = arith.constant 0.000000e+00 : f32
    %broadcast_in_dim3A_3 = vector.broadcast %broadcast_in_dim3A : f32 to vector<128x2048xf32>
    %get3A = arith.constant 0 : index
    %get3A_4 = arith.constant 0 : index
    %get3A_5 = vector.load %arg2[%get3A, %get3A_4] : memref<3x2048xf32, #tpu.memory_space<vmem>>, vector<1x2048xf32>
    %get3A_6 = arith.constant 0 : index
    %get3A_7 = arith.constant 0 : index
    %get3A_8 = vector.load %arg1[%get3A_6, %get3A_7] : memref<128x3xf32, #tpu.memory_space<vmem>>, vector<128x1xf32>
    %sub3A = vector.broadcast %get3A_5 : vector<1x2048xf32> to vector<128x2048xf32>
    %sub3A_9 = vector.broadcast %get3A_8 : vector<128x1xf32> to vector<128x2048xf32>
    %sub3A_10 = arith.subf %sub3A, %sub3A_9 : vector<128x2048xf32>
    %get3A_11 = arith.constant 2 : index
    %get3A_12 = arith.constant 0 : index
    %get3A_13 = vector.load %arg4[%get3A_11, %get3A_12] : memref<6x6144xf32, #tpu.memory_space<vmem>>, vector<1x1xf32>
    %get3A_14 = vector.extract %get3A_13[0, 0] : f32 from vector<1x1xf32>
    %mul3A_15 = vector.broadcast %get3A_14 : f32 to vector<128x2048xf32>
    %mul3A_16 = arith.mulf %sub3A_10, %mul3A_15 : vector<128x2048xf32>
    %round3A = math.roundeven %mul3A_16 : vector<128x2048xf32>
    %neg3A = arith.constant 0.000000e+00 : f32
    %neg3A_17 = vector.broadcast %neg3A : f32 to vector<128x2048xf32>
    %neg3A_18 = arith.subf %neg3A_17, %round3A : vector<128x2048xf32>
    %get3A_19 = arith.constant 2 : index
    %get3A_20 = arith.constant 1 : index
    %get3A_21 = vector.load %arg4[%get3A_19, %get3A_20] : memref<6x6144xf32, #tpu.memory_space<vmem>>, vector<1x1xf32>
    %get3A_22 = vector.extract %get3A_21[0, 0] : f32 from vector<1x1xf32>
    %mul3A_23 = vector.broadcast %get3A_22 : f32 to vector<128x2048xf32>
    %mul3A_24 = arith.mulf %neg3A_18, %mul3A_23 : vector<128x2048xf32>
    %add3A_25 = arith.addf %sub3A_10, %mul3A_24 : vector<128x2048xf32>
    %mul3A_26 = arith.mulf %add3A_25, %add3A_25 : vector<128x2048xf32>
    %add3A_27 = arith.addf %broadcast_in_dim3A_3, %mul3A_26 : vector<128x2048xf32>
    %get3A_28 = arith.constant 1 : index
    %get3A_29 = arith.constant 0 : index
    %get3A_30 = vector.load %arg2[%get3A_28, %get3A_29] : memref<3x2048xf32, #tpu.memory_space<vmem>>, vector<1x2048xf32>
    %get3A_31 = arith.constant 0 : index
    %get3A_32 = arith.constant 1 : index
    %get3A_33 = vector.load %arg1[%get3A_31, %get3A_32] : memref<128x3xf32, #tpu.memory_space<vmem>>, vector<128x1xf32>
    %sub3A_34 = vector.broadcast %get3A_30 : vector<1x2048xf32> to vector<128x2048xf32>
    %sub3A_35 = vector.broadcast %get3A_33 : vector<128x1xf32> to vector<128x2048xf32>
    %sub3A_36 = arith.subf %sub3A_34, %sub3A_35 : vector<128x2048xf32>
    %get3A_37 = arith.constant 2 : index
    %get3A_38 = arith.constant 2 : index
    %get3A_39 = vector.load %arg4[%get3A_37, %get3A_38] : memref<6x6144xf32, #tpu.memory_space<vmem>>, vector<1x1xf32>
    %get3A_40 = vector.extract %get3A_39[0, 0] : f32 from vector<1x1xf32>
    %mul3A_41 = vector.broadcast %get3A_40 : f32 to vector<128x2048xf32>
    %mul3A_42 = arith.mulf %sub3A_36, %mul3A_41 : vector<128x2048xf32>
    %round3A_43 = math.roundeven %mul3A_42 : vector<128x2048xf32>
    %neg3A_44 = arith.constant 0.000000e+00 : f32
    %neg3A_45 = vector.broadcast %neg3A_44 : f32 to vector<128x2048xf32>
    %neg3A_46 = arith.subf %neg3A_45, %round3A_43 : vector<128x2048xf32>
    %get3A_47 = arith.constant 2 : index
    %get3A_48 = arith.constant 3 : index
    %get3A_49 = vector.load %arg4[%get3A_47, %get3A_48] : memref<6x6144xf32, #tpu.memory_space<vmem>>, vector<1x1xf32>
    %get3A_50 = vector.extract %get3A_49[0, 0] : f32 from vector<1x1xf32>
    %mul3A_51 = vector.broadcast %get3A_50 : f32 to vector<128x2048xf32>
    %mul3A_52 = arith.mulf %neg3A_46, %mul3A_51 : vector<128x2048xf32>
    %add3A_53 = arith.addf %sub3A_36, %mul3A_52 : vector<128x2048xf32>
    %mul3A_54 = arith.mulf %add3A_53, %add3A_53 : vector<128x2048xf32>
    %add3A_55 = arith.addf %add3A_27, %mul3A_54 : vector<128x2048xf32>
    %get3A_56 = arith.constant 2 : index
    %get3A_57 = arith.constant 0 : index
    %get3A_58 = vector.load %arg2[%get3A_56, %get3A_57] : memref<3x2048xf32, #tpu.memory_space<vmem>>, vector<1x2048xf32>
    %get3A_59 = arith.constant 0 : index
    %get3A_60 = arith.constant 2 : index
    %get3A_61 = vector.load %arg1[%get3A_59, %get3A_60] : memref<128x3xf32, #tpu.memory_space<vmem>>, vector<128x1xf32>
    %sub3A_62 = vector.broadcast %get3A_58 : vector<1x2048xf32> to vector<128x2048xf32>
    %sub3A_63 = vector.broadcast %get3A_61 : vector<128x1xf32> to vector<128x2048xf32>
    %sub3A_64 = arith.subf %sub3A_62, %sub3A_63 : vector<128x2048xf32>
    %get3A_65 = arith.constant 2 : index
    %get3A_66 = arith.constant 4 : index
    %get3A_67 = vector.load %arg4[%get3A_65, %get3A_66] : memref<6x6144xf32, #tpu.memory_space<vmem>>, vector<1x1xf32>
    %get3A_68 = vector.extract %get3A_67[0, 0] : f32 from vector<1x1xf32>
    %mul3A_69 = vector.broadcast %get3A_68 : f32 to vector<128x2048xf32>
    %mul3A_70 = arith.mulf %sub3A_64, %mul3A_69 : vector<128x2048xf32>
    %round3A_71 = math.roundeven %mul3A_70 : vector<128x2048xf32>
    %neg3A_72 = arith.constant 0.000000e+00 : f32
    %neg3A_73 = vector.broadcast %neg3A_72 : f32 to vector<128x2048xf32>
    %neg3A_74 = arith.subf %neg3A_73, %round3A_71 : vector<128x2048xf32>
    %get3A_75 = arith.constant 2 : index
    %get3A_76 = arith.constant 5 : index
    %get3A_77 = vector.load %arg4[%get3A_75, %get3A_76] : memref<6x6144xf32, #tpu.memory_space<vmem>>, vector<1x1xf32>
    %get3A_78 = vector.extract %get3A_77[0, 0] : f32 from vector<1x1xf32>
    %mul3A_79 = vector.broadcast %get3A_78 : f32 to vector<128x2048xf32>
    %mul3A_80 = arith.mulf %neg3A_74, %mul3A_79 : vector<128x2048xf32>
    %add3A_81 = arith.addf %sub3A_64, %mul3A_80 : vector<128x2048xf32>
    %mul3A_82 = arith.mulf %add3A_81, %add3A_81 : vector<128x2048xf32>
    %add3A_83 = arith.addf %add3A_55, %mul3A_82 : vector<128x2048xf32>
    %lt3A = arith.constant 3.600000e+01 : f32
    %lt3A_84 = vector.broadcast %lt3A : f32 to vector<128x2048xf32>
    %lt3A_85 = arith.cmpf olt, %add3A_83, %lt3A_84 : vector<128x2048xf32>
    %ne3A = arith.cmpi ne, %add3A_1, %iota3A_2 : vector<128x2048xi32>
    %and3A = arith.andi %lt3A_85, %ne3A : vector<128x2048xi1>
    %convert_element_type3A = arith.extui %and3A : vector<128x2048xi1> to vector<128x2048xi32>
    %swap3A = arith.constant 0 : index
    %swap3A_86 = arith.constant 0 : index
    %swap3A_87 = vector.load %arg5[%swap3A, %swap3A_86] : memref<128x2048xi32, #tpu.memory_space<vmem>>, vector<128x2048xi32>
    tpu.vector_store %arg5[%swap3A, %swap3A_86], %convert_element_type3A {strides = array<i32>} : memref<128x2048xi32, #tpu.memory_space<vmem>>, vector<128x2048xi32>,
    %jit3A = arith.constant 0.000000e+00 : f32
    %broadcast_in_dim3A_88 = vector.broadcast %jit3A : f32 to vector<128x2048xf32>
    %select_n3A = arith.select %and3A, %add3A_83, %broadcast_in_dim3A_88 : vector<128x2048xi1>, vector<128x2048xf32>
    %swap3A_89 = arith.constant 0 : index
    %swap3A_90 = arith.constant 0 : index
    %swap3A_91 = vector.load %arg8[%swap3A_89, %swap3A_90] : memref<128x2048xf32, #tpu.memory_space<vmem>>, vector<128x2048xf32>
    tpu.vector_store %arg8[%swap3A_89, %swap3A_90], %select_n3A {strides = array<i32>} : memref<128x2048xf32, #tpu.memory_space<vmem>>, vector<128x2048xf32>,
    %get3A_92 = arith.constant 0 : index
    %get3A_93 = arith.constant 0 : index
    %get3A_94 = vector.load %arg1[%get3A_92, %get3A_93] : memref<128x3xf32, #tpu.memory_space<vmem>>, vector<128x1xf32>
    %get3A_95 = arith.constant 3 : index
    %get3A_96 = arith.constant 0 : index
    %get3A_97 = vector.load %arg4[%get3A_95, %get3A_96] : memref<6x6144xf32, #tpu.memory_space<vmem>>, vector<1x6144xf32>
    %mul3A_98 = vector.broadcast %get3A_94 : vector<128x1xf32> to vector<128x6144xf32>
    %mul3A_99 = vector.broadcast %get3A_97 : vector<1x6144xf32> to vector<128x6144xf32>
    %mul3A_100 = arith.mulf %mul3A_98, %mul3A_99 : vector<128x6144xf32>
    %get3A_101 = arith.constant 0 : index
    %get3A_102 = arith.constant 1 : index
    %get3A_103 = vector.load %arg1[%get3A_101, %get3A_102] : memref<128x3xf32, #tpu.memory_space<vmem>>, vector<128x1xf32>
    %get3A_104 = arith.constant 4 : index
    %get3A_105 = arith.constant 0 : index
    %get3A_106 = vector.load %arg4[%get3A_104, %get3A_105] : memref<6x6144xf32, #tpu.memory_space<vmem>>, vector<1x6144xf32>
    %mul3A_107 = vector.broadcast %get3A_103 : vector<128x1xf32> to vector<128x6144xf32>
    %mul3A_108 = vector.broadcast %get3A_106 : vector<1x6144xf32> to vector<128x6144xf32>
    %mul3A_109 = arith.mulf %mul3A_107, %mul3A_108 : vector<128x6144xf32>
    %add3A_110 = arith.addf %mul3A_100, %mul3A_109 : vector<128x6144xf32>
    %get3A_111 = arith.constant 0 : index
    %get3A_112 = arith.constant 2 : index
    %get3A_113 = vector.load %arg1[%get3A_111, %get3A_112] : memref<128x3xf32, #tpu.memory_space<vmem>>, vector<128x1xf32>
    %get3A_114 = arith.constant 5 : index
    %get3A_115 = arith.constant 0 : index
    %get3A_116 = vector.load %arg4[%get3A_114, %get3A_115] : memref<6x6144xf32, #tpu.memory_space<vmem>>, vector<1x6144xf32>
    %mul3A_117 = vector.broadcast %get3A_113 : vector<128x1xf32> to vector<128x6144xf32>
    %mul3A_118 = vector.broadcast %get3A_116 : vector<1x6144xf32> to vector<128x6144xf32>
    %mul3A_119 = arith.mulf %mul3A_117, %mul3A_118 : vector<128x6144xf32>
    %add3A_120 = arith.addf %add3A_110, %mul3A_119 : vector<128x6144xf32>
    %get3A_121 = arith.constant 0 : index
    %get3A_122 = arith.constant 0 : index
    %get3A_123 = vector.load %arg3[%get3A_121, %get3A_122] : memref<1x6144xf32, #tpu.memory_space<vmem>>, vector<1x6144xf32>
    %sub3A_124 = vector.broadcast %get3A_123 : vector<1x6144xf32> to vector<128x6144xf32>
    %sub3A_125 = arith.subf %sub3A_124, %add3A_120 : vector<128x6144xf32>
    %get3A_126 = arith.constant 0 : index
    %get3A_127 = arith.constant 0 : index
    %get3A_128 = vector.load %arg4[%get3A_126, %get3A_127] : memref<6x6144xf32, #tpu.memory_space<vmem>>, vector<1x6144xf32>
    %mul3A_129 = vector.broadcast %get3A_128 : vector<1x6144xf32> to vector<128x6144xf32>
    %mul3A_130 = arith.mulf %sub3A_125, %mul3A_129 : vector<128x6144xf32>
    %round3A_131 = math.roundeven %mul3A_130 : vector<128x6144xf32>
    %neg3A_132 = arith.constant 0.000000e+00 : f32
    %neg3A_133 = vector.broadcast %neg3A_132 : f32 to vector<128x6144xf32>
    %neg3A_134 = arith.subf %neg3A_133, %round3A_131 : vector<128x6144xf32>
    %get3A_135 = arith.constant 1 : index
    %get3A_136 = arith.constant 0 : index
    %get3A_137 = vector.load %arg4[%get3A_135, %get3A_136] : memref<6x6144xf32, #tpu.memory_space<vmem>>, vector<1x6144xf32>
    %mul3A_138 = vector.broadcast %get3A_137 : vector<1x6144xf32> to vector<128x6144xf32>
    %mul3A_139 = arith.mulf %neg3A_134, %mul3A_138 : vector<128x6144xf32>
    %add3A_140 = arith.addf %sub3A_125, %mul3A_139 : vector<128x6144xf32>
    %mul3A_141 = arith.mulf %add3A_140, %add3A_140 : vector<128x6144xf32>
    %slice3A = vector.extract_strided_slice %mul3A_141 {offsets = [0, 1], sizes = [128, 6143], strides = [1, 1]} : vector<128x6144xf32> to vector<128x6143xf32>
    %slice3A_142 = vector.extract_strided_slice %mul3A_141 {offsets = [0, 0], sizes = [128, 1], strides = [1, 1]} : vector<128x6144xf32> to vector<128x1xf32>
    %concatenate3A = tpu.concatenate %slice3A, %slice3A_142 in 1 : vector<128x6143xf32>, vector<128x1xf32> -> vector<128x6144xf32>
    %add3A_143 = arith.addf %mul3A_141, %concatenate3A : vector<128x6144xf32>
    %slice3A_144 = vector.extract_strided_slice %mul3A_141 {offsets = [0, 2], sizes = [128, 6142], strides = [1, 1]} : vector<128x6144xf32> to vector<128x6142xf32>
    %slice3A_145 = vector.extract_strided_slice %mul3A_141 {offsets = [0, 0], sizes = [128, 2], strides = [1, 1]} : vector<128x6144xf32> to vector<128x2xf32>
    %concatenate3A_146 = tpu.concatenate %slice3A_144, %slice3A_145 in 1 : vector<128x6142xf32>, vector<128x2xf32> -> vector<128x6144xf32>
    %add3A_147 = arith.addf %add3A_143, %concatenate3A_146 : vector<128x6144xf32>
    %iota3A_148 = tpu.iota {dimensions = array<i32: 1>} : vector<1x6144xi32>
    %jit3A_149 = arith.constant 3 : i32
    %eq3A = arith.constant 0 : i32
    %eq3A_150 = arith.cmpi eq, %jit3A_149, %eq3A : i32
    %jit3A_151 = arith.constant 1 : i32
    %select_n3A_152 = arith.select %eq3A_150, %jit3A_151, %jit3A_149 : i32
    %rem3A = vector.broadcast %select_n3A_152 : i32 to vector<1x6144xi32>
    %rem3A_153 = arith.remsi %iota3A_148, %rem3A : vector<1x6144xi32>
    %ne3A_154 = arith.constant 0 : i32
    %ne3A_155 = vector.broadcast %ne3A_154 : i32 to vector<1x6144xi32>
    %ne3A_156 = arith.cmpi ne, %rem3A_153, %ne3A_155 : vector<1x6144xi32>
    %lt3A_157 = arith.constant 0 : i32
    %lt3A_158 = vector.broadcast %lt3A_157 : i32 to vector<1x6144xi32>
    %lt3A_159 = arith.cmpi slt, %rem3A_153, %lt3A_158 : vector<1x6144xi32>
    %lt3A_160 = arith.constant 0 : i32
    %lt3A_161 = arith.cmpi slt, %select_n3A_152, %lt3A_160 : i32
    %ne3A_162 = vector.broadcast %lt3A_161 : i1 to vector<1x6144xi1>
    %ne3A_163 = vector.broadcast %ne3A_162 : vector<1x6144xi1> to vector<1x6144xi1>
    %ne3A_164 = arith.xori %lt3A_159, %ne3A_163 : vector<1x6144xi1>
    %and3A_165 = arith.andi %ne3A_164, %ne3A_156 : vector<1x6144xi1>
    %add3A_166 = vector.broadcast %select_n3A_152 : i32 to vector<1x6144xi32>
    %add3A_167 = arith.addi %rem3A_153, %add3A_166 : vector<1x6144xi32>
    %select_n3A_168 = arith.select %and3A_165, %add3A_167, %rem3A_153 : vector<1x6144xi1>, vector<1x6144xi32>
    %eq3A_169 = arith.constant 0 : i32
    %eq3A_170 = vector.broadcast %eq3A_169 : i32 to vector<1x6144xi32>
    %eq3A_171 = arith.cmpi eq, %select_n3A_168, %eq3A_170 : vector<1x6144xi32>
    %jit3A_172 = arith.constant 0.000000e+00 : f32
    %broadcast_in_dim3A_173 = vector.shape_cast %eq3A_171 : vector<1x6144xi1> to vector<1x6144xi1>
    %broadcast_in_dim3A_174 = vector.broadcast %broadcast_in_dim3A_173 : vector<1x6144xi1> to vector<128x6144xi1>
    %broadcast_in_dim3A_175 = vector.broadcast %jit3A_172 : f32 to vector<128x6144xf32>
    %select_n3A_176 = arith.select %broadcast_in_dim3A_174, %add3A_147, %broadcast_in_dim3A_175 : vector<128x6144xi1>, vector<128x6144xf32>
    %slice3A_177 = vector.extract_strided_slice %select_n3A_176 {offsets = [0, 6143], sizes = [128, 1], strides = [1, 1]} : vector<128x6144xf32> to vector<128x1xf32>
    %slice3A_178 = vector.extract_strided_slice %select_n3A_176 {offsets = [0, 0], sizes = [128, 6143], strides = [1, 1]} : vector<128x6144xf32> to vector<128x6143xf32>
    %concatenate3A_179 = tpu.concatenate %slice3A_177, %slice3A_178 in 1 : vector<128x1xf32>, vector<128x6143xf32> -> vector<128x6144xf32>
    %add3A_180 = arith.addf %select_n3A_176, %concatenate3A_179 : vector<128x6144xf32>
    %slice3A_181 = vector.extract_strided_slice %select_n3A_176 {offsets = [0, 6142], sizes = [128, 2], strides = [1, 1]} : vector<128x6144xf32> to vector<128x2xf32>
    %slice3A_182 = vector.extract_strided_slice %select_n3A_176 {offsets = [0, 0], sizes = [128, 6142], strides = [1, 1]} : vector<128x6144xf32> to vector<128x6142xf32>
    %concatenate3A_183 = tpu.concatenate %slice3A_181, %slice3A_182 in 1 : vector<128x2xf32>, vector<128x6142xf32> -> vector<128x6144xf32>
    %add3A_184 = arith.addf %add3A_180, %concatenate3A_183 : vector<128x6144xf32>
    %jit3A_185 = arith.constant 3 : i32
    %div3A = vector.broadcast %jit3A_185 : i32 to vector<1x6144xi32>
    %div3A_186 = arith.divsi %iota3A_148, %div3A : vector<1x6144xi32>
    %sign3A = arith.constant 0 : i32
    %sign3A_187 = vector.broadcast %sign3A : i32 to vector<1x6144xi32>
    %sign3A_188 = arith.cmpi sgt, %iota3A_148, %sign3A_187 : vector<1x6144xi32>
    %sign3A_189 = arith.extui %sign3A_188 : vector<1x6144xi1> to vector<1x6144xi32>
    %sign3A_190 = arith.constant 0 : i32
    %sign3A_191 = vector.broadcast %sign3A_190 : i32 to vector<1x6144xi32>
    %sign3A_192 = arith.cmpi slt, %iota3A_148, %sign3A_191 : vector<1x6144xi32>
    %sign3A_193 = arith.extui %sign3A_192 : vector<1x6144xi1> to vector<1x6144xi32>
    %sign3A_194 = arith.subi %sign3A_189, %sign3A_193 : vector<1x6144xi32>
    %sign3A_195 = arith.constant 0 : i32
    %sign3A_196 = arith.cmpi sgt, %jit3A_185, %sign3A_195 : i32
    %sign3A_197 = arith.extui %sign3A_196 : i1 to i32
    %sign3A_198 = arith.constant 0 : i32
    %sign3A_199 = arith.cmpi slt, %jit3A_185, %sign3A_198 : i32
    %sign3A_200 = arith.extui %sign3A_199 : i1 to i32
    %sign3A_201 = arith.subi %sign3A_197, %sign3A_200 : i32
    %ne3A_202 = vector.broadcast %sign3A_201 : i32 to vector<1x6144xi32>
    %ne3A_203 = arith.cmpi ne, %sign3A_194, %ne3A_202 : vector<1x6144xi32>
    %rem3A_204 = vector.broadcast %jit3A_185 : i32 to vector<1x6144xi32>
    %rem3A_205 = arith.remsi %iota3A_148, %rem3A_204 : vector<1x6144xi32>
    %ne3A_206 = arith.constant 0 : i32
    %ne3A_207 = vector.broadcast %ne3A_206 : i32 to vector<1x6144xi32>
    %ne3A_208 = arith.cmpi ne, %rem3A_205, %ne3A_207 : vector<1x6144xi32>
    %and3A_209 = arith.andi %ne3A_203, %ne3A_208 : vector<1x6144xi1>
    %sub3A_210 = arith.constant 1 : i32
    %sub3A_211 = vector.broadcast %sub3A_210 : i32 to vector<1x6144xi32>
    %sub3A_212 = arith.subi %div3A_186, %sub3A_211 : vector<1x6144xi32>
    %select_n3A_213 = arith.select %and3A_209, %sub3A_212, %div3A_186 : vector<1x6144xi1>, vector<1x6144xi32>
    %iota3A_214 = tpu.iota {dimensions = array<i32: 0>} : vector<128x1xi32>
    %add3A_215 = vector.broadcast %mul3A_0 : i32 to vector<128x1xi32>
    %add3A_216 = arith.addi %add3A_215, %iota3A_214 : vector<128x1xi32>
    %lt3A_217 = arith.constant 3.600000e+01 : f32
    %lt3A_218 = vector.broadcast %lt3A_217 : f32 to vector<128x6144xf32>
    %lt3A_219 = arith.cmpf olt, %add3A_184, %lt3A_218 : vector<128x6144xf32>
    %ne3A_220 = vector.broadcast %select_n3A_213 : vector<1x6144xi32> to vector<128x6144xi32>
    %ne3A_221 = vector.broadcast %add3A_216 : vector<128x1xi32> to vector<128x6144xi32>
    %ne3A_222 = arith.cmpi ne, %ne3A_220, %ne3A_221 : vector<128x6144xi32>
    %and3A_223 = arith.andi %lt3A_219, %ne3A_222 : vector<128x6144xi1>
    %jit3A_224 = arith.constant 0.000000e+00 : f32
    %broadcast_in_dim3A_225 = vector.broadcast %jit3A_224 : f32 to vector<128x6144xf32>
    %select_n3A_226 = arith.select %and3A_223, %add3A_140, %broadcast_in_dim3A_225 : vector<128x6144xi1>, vector<128x6144xf32>
    %swap3A_227 = arith.constant 0 : index
    %swap3A_228 = arith.constant 0 : index
    %swap3A_229 = vector.load %arg7[%swap3A_227, %swap3A_228] : memref<128x6144xf32, #tpu.memory_space<vmem>>, vector<128x6144xf32>
    tpu.vector_store %arg7[%swap3A_227, %swap3A_228], %select_n3A_226 {strides = array<i32>} : memref<128x6144xf32, #tpu.memory_space<vmem>>, vector<128x6144xf32>,
    %jit3A_230 = arith.constant 0.000000e+00 : f32
    %broadcast_in_dim3A_231 = vector.broadcast %jit3A_230 : f32 to vector<128x6144xf32>
    %select_n3A_232 = arith.select %and3A_223, %neg3A_134, %broadcast_in_dim3A_231 : vector<128x6144xi1>, vector<128x6144xf32>
    %convert_element_type3A_233 = arith.fptosi %select_n3A_232 : vector<128x6144xf32> to vector<128x6144xi32>
    %swap3A_234 = arith.constant 0 : index
    %swap3A_235 = arith.constant 0 : index
    %swap3A_236 = vector.load %arg6[%swap3A_234, %swap3A_235] : memref<128x6144xi32, #tpu.memory_space<vmem>>, vector<128x6144xi32>
    tpu.vector_store %arg6[%swap3A_234, %swap3A_235], %convert_element_type3A_233 {strides = array<i32>} : memref<128x6144xi32, #tpu.memory_space<vmem>>, vector<128x6144xi32>,
    return
  }
  func.func @transform_0(%arg0: i32) -> (i32, i32) {
    %c0_i32 = arith.constant 0 : i32
    %c0_i32_0 = arith.constant 0 : i32
    return %arg0, %c0_i32 : i32, i32
  }
  func.func @transform_1(%arg0: i32) -> (i32, i32) {
    %c0_i32 = arith.constant 0 : i32
    %c0_i32_0 = arith.constant 0 : i32
    %c0_i32_1 = arith.constant 0 : i32
    return %c0_i32, %c0_i32_0 : i32, i32
  }
  func.func @transform_2(%arg0: i32) -> (i32, i32) {
    %c0_i32 = arith.constant 0 : i32
    %c0_i32_0 = arith.constant 0 : i32
    %c0_i32_1 = arith.constant 0 : i32
    return %c0_i32, %c0_i32_0 : i32, i32
  }
  func.func @transform_3(%arg0: i32) -> (i32, i32) {
    %c0_i32 = arith.constant 0 : i32
    %c0_i32_0 = arith.constant 0 : i32
    %c0_i32_1 = arith.constant 0 : i32
    return %c0_i32, %c0_i32_0 : i32, i32
  }
  func.func @transform_4(%arg0: i32) -> (i32, i32) {
    %c0_i32 = arith.constant 0 : i32
    %c0_i32_0 = arith.constant 0 : i32
    return %arg0, %c0_i32 : i32, i32
  }
  func.func @transform_5(%arg0: i32) -> (i32, i32) {
    %c0_i32 = arith.constant 0 : i32
    %c0_i32_0 = arith.constant 0 : i32
    return %arg0, %c0_i32 : i32, i32
  }
  func.func @transform_6(%arg0: i32) -> (i32, i32) {
    %c0_i32 = arith.constant 0 : i32
    %c0_i32_0 = arith.constant 0 : i32
    return %arg0, %c0_i32 : i32, i32
  }
  func.func @transform_7(%arg0: i32) -> (i32, i32) {
    %c0_i32 = arith.constant 0 : i32
    %c0_i32_0 = arith.constant 0 : i32
    return %arg0, %c0_i32 : i32, i32
  }
}

</mosaic_0001>

<sc_bundles>
// kernel: sparse-core-data-format-call.1.cloned.1.call-start
scs
called_computation.1_lowered:
.L_overlay_start_0:
0x0: {  	s2 =	sld [smem:$0x3FD9]  }
0x1: {  	s3 =	sld [smem:$0x3FFE];
	_ =	sdelay $0x1  }
0x2: {  	s1 =	srdreg.scid  }
0x3: {  	s0 =	sand.u32 $0x1, s1  }
0x4: {  	s15 =	sshll.u32 s0, $0xA;
	s2 =	sadd.s32 s3, s2  }
0x5: {  	s2 =	sadd.s32 s2, s15  }
0x6: {  	[smem:$0x3FC6] =	sst s2  }
0x7: {  	_ = 	snop  }
0x8: {  	s2 =	sld [smem:$0x3FD0];
	_ =	sdelay $0x2  }
0x9: {  	s16 =	simm.s32 $0xB;
	s4 =	simm.s32 $0x10  }
0xa: {  	[smem:s4], [sflag:s16] =	dma.local [hbm:s2], $0x1  }
0xb: {  	_ =	swait.eq [sflag:s16], $0x1  }
0xc: {  	[sflag:s16] =	ssyncset.done $0x0  }
0xd: {  	[sflag:s16] =	ssyncadd.s32 $0xFFFFFFFF  }
0xe: {  	s17 =	sld [smem:$0x11];
	(tm) =	ssettm $0x1  }
0xf: {  	s18 =	sld [smem:$0x3FFB];
	_ =	sdelay $0x3  }
0x10: {  	_ =	strace s18  }
0x11: {  	s3 =	sld [smem:$0x3FFC];
	_ =	sdelay $0x3  }
0x12: {  	_ =	strace s3  }
0x13: {  	s3 =	sld [smem:$0x3FFD];
	_ =	sdelay $0x3  }
0x14: {  	_ =	strace s3  }
0x15: {  	_ =	strace $0x8FFFFFFF  }
0x16: {  	s19 =	sld [smem:$0x3FDB];
	_ =	sdelay $0x1  }
0x17: {  	s20 =	simm.s32 $_scs_section_size  }
0x18: {  	s5 =	simm.s32 $_size__tile_overlayer_lowered;
	s6 =	simm.s32 $_tile_overlayer_lowered  }
0x19: {  	s23 =	simm.s32 $0x1BFF;
	s22 =	sshll.u32 s6, $0x1;
	s3 =	sadd.s32 s20, s19  }
0x1a: {  	s7 =	simm.s32 $0x0;
	s21 =	sshll.u32 s5, $0x1;
	s5 =	sadd.s32 s22, s3  }
0x1b: {  	[timem:s7], [sflag:s23] =	dma.local [hbm:s5], s21  }
0x1c: {  	_ =	swait.ge [sflag:s23], s21  }
0x1d: {  	s4 =	ssub.s32 $0x0, s21;
	[sflag:s23] =	ssyncset.done $0x0  }
0x1e: {  	[sflag:s23] =	ssyncadd.s32 s4;
	_ =	sdelay $0x1  }
0x1f: {  	s24 =	simm.s32 $0x1B8B  }
0x20: {  	_ =	swait.ge [sflag:s24], $0x1  }
0x21: {  	[sflag:s24] =	ssyncset.done $0x0  }
0x22: {  	s26 =	simm.s32 $0x1B8E;
	s25 =	sld [smem:$0x3FFE];
	[sflag:s24] =	ssyncadd.s32 $0xFFFFFFFF  }
0x23: {  	s27 =	simm.s32 $execute0_lowered;
	[smem:$0x3FD2] =	sst s26  }
0x24: {  	s5 =	sshll.u32 s27, $0x1;
	_ =	strace $0x80000046;
	[dreg:$0x1] =	wrdreg $0xFFFFFFFF  }
0x25: {  	s28 =	simm.s32 $_size_execute0_lowered;
	s3 =	sadd.s32 s3, s5;
	[dreg:$0x0] =	wrdreg $0x0  }
0x26: {  	s5 =	sshll.u32 s28, $0x1;
	[dreg:$0x2] =	wrdreg s3  }
0x27: {  	[dreg:$0x3] =	wrdreg s5  }
0x28: {  	[dreg:$0x4] =	wrdreg $0xC0  }
0x29: {  	_ =	task [dreg:s7], $0x5FFFF  }
0x2a: {  	[dreg:$0x1] =	wrdreg $0xFFFFFFFF  }
0x2b: {  	[dreg:$0x0] =	wrdreg $0x60  }
0x2c: {  	[dreg:$0x2] =	wrdreg s25  }
0x2d: {  	[dreg:$0x3] =	wrdreg s17  }
0x2e: {  	[dreg:$0x4] =	wrdreg $0xA  }
0x2f: {  	_ =	task.clear_ibuf [dreg:s7], $0x5FFFF;
	_ =	strace $0x90000046  }
0x30: {  	s29 =	simm.s32 $0xA;
	_ =	strace $0x80000048  }
0x31: {  	_ =	swait.ge [sflag:s29], $0x1  }
0x32: {  	[sflag:s29] =	ssyncadd.s32 $0xFFFFFFFF  }
0x33: {  	_ =	strace $0x90000048  }
0x34: {  	_ =	sfence  }
0x35: {  	s30 =	sld [smem:$0x0];
	_ =	sdelay $0x2  }
0x36: {  	s31 =	sshll.u32 s1, $0xD;
	s1 =	sshrl.u32 s1, $0x2  }
0x37: {  	s3 =	sand.u32 $0x4000, s31;
	s1 =	sadd.s32 s1, s30  }
0x38: {  	s0 =	sor.u32 s3, s0;
	s1 =	sshll.u32 s1, $0x11  }
0x39: {  	s0 =	sor.u32 s1, s0  }
0x3a: {  	s0 =	sadd.s32 $0x8F2B, s0  }
0x3b: {  	[sflag:s0] =	ssyncadd.remote.s32 $0x1  }
0x3c: {  	_ =	sfence.sel $0xFFFF  }
0x3d: {  	[dreg:$0x0] =	wrdreg $0xFFFFFFFF;
	(pc) =	sbr.abs _section_cstart, $3  }
0x3e: {  	[dreg:$0x1] =	wrdreg $0xFFFFFFFF  }
0x3f: {  	_ =	task.clear_ibuf [dreg:s7], $0x2FFFF;
	_ =	strace $0x9FFFFFFF  }
0x40: {  	(tm) =	ssettm $0x7FFFFFFF  }
0x41: {  	_ =	shalt  }
tec
execute0_lowered:
.L_overlay_start_1:
0x0: {  	(tag) =	ssettag $0x1  }
0x1: {  	s0 =	stileid.u32  }
0x2: {  	s2 =	srdreg.scid;
	s7 =	rddreg [dreg:$0x0]  }
0x3: {  	s8 =	simm.s32 $0x2;
	s1 =	sshll.u32 s0, $0x7;
	s2 =	sshll.u32 s2, $0x7  }
0x4: {  	s16 =	simm.s32 $0x0;
	s2 =	sand.u32 $0x80, s2;
	s3 =	ssub.s32 $0x800, s1  }
0x5: {  	s4 =	sshrl.u32 s3, $0xB;
	s3 =	sand.u32 $0x780, s3;
	s5 =	ssub.s32 $0x800, s2  }
0x6: {  	p0 =	sne.s32 s3, $0x0;
	s3 =	simm.s32 $0x1;
	s6 =	sshrl.u32 s5, $0x7  }
0x7: {  	s5 =	sshrl.u32 s5, $0x8;
	s3 =	simm.s32 @!p0 $0x0;
	s6 =	sand.u32 $0x1, s6  }
0x8: {  	s9 =	simm.s32 $0x4000;
	s3 =	sadd.s32 s3, s4;
	s5 =	sadd.s32 s5, s6  }
0x9: {  	s15 =	simm.s32 $0x0;
	s14 =	simm.s32 $0x0;
	s6 =	smul.u32 s5, s3  }
.Ltmp0:
0xa: {  	s11 =	simm.s32 $0x0;
	s4 =	rddreg [dreg:$0x1];
	(pc) =	sbr.rel .LBB1_1-.Ltmp0, $4  }
0xb: {  	s13 =	simm.s32 $0x0;
	s7 =	sadd.s32 $0x181200, s7;
	s3 =	rddreg [dreg:$0x2]  }
0xc: {  	_ =	strace $0x80000047;
	s5 =	simm.s32 $0x1;
	s6 =	smul.u32 $0x3, s6  }
0xd: {  	s12 =	smov.u32 s1;
	s10 =	smov.u32 s2;
	[sflag:s5] =	ssyncpa.u1 $0x0  }
0xe: {  	p0 =	por $0x0, $0x0;
	[sflag:s8] =	ssyncpa.u1 $0x0;
	s8 =	sadd.s32 $0x1, s6  }
.LBB1_4:
0xf: {  	v5 =	vld [tilespmem:s19+$0xFFFFFFD0]  }
0x10: {  	[tilespmem:s20+$0x2040 ss:$0x81] =	vst.msk $0xffff, v1;
	v58 =	vld [tilespmem:s19+$0xFFFFFFE0]  }
0x11: {  	[tilespmem:s20+$0x2850 ss:$0x81] =	vst.msk $0xffff, v2;
	v59 =	vld [tilespmem:s19+$0xFFFFFFF0]  }
0x12: {  	s21 =	sshra.s32 s21, $0x2;
	[tilespmem:s20+$0x3060 ss:$0x81] =	vst.msk $0xffff, v3;
	v60 =	vld [tilespmem:s19+$0x0]  }
0x13: {  	[tilespmem:s20+$0x0 ss:$0x81] =	vst.msk $0xffff, v0;
	v61 =	vld [tilespmem:s19+$0x10];
	s18 =	sadd.s32 s21, s18  }
0x14: {  	s26 =	sshll.u32 s16, $0xB;
	v62 =	vld [tilespmem:s19+$0x20];
	[tilespmem:s18+$0x3870 ss:$0x81] =	vst.msk $0xffff, v4  }
0x15: {  	s27 =	sand.u32 $0x78, s14;
	s22 =	sshll.u32 s14, $0x3;
	v63 =	vld [tilespmem:s19+$0xFFFFFFC0];
	s29 =	sshll.u32 s16, $0x7;
	[tilespmem:s18+$0x810 ss:$0x81] =	vst.msk $0xffff, v5  }
0x16: {  	s15 =	sshll.u32 s15, $0x13;
	s20 =	sand.u32 $0x3FC000, s26;
	s28 =	sand.u32 $0x3FFC00, s22;
	[tilespmem:s18+$0x1020 ss:$0x81] =	vst.msk $0xffff, v58  }
0x17: {  	s31 =	sand.u32 $0x7, s14;
	s22 =	sand.u32 $0x400, s22;
	s19 =	sadd.s32 s28, s20;
	[tilespmem:s18+$0x1830 ss:$0x81] =	vst.msk $0xffff, v59  }
0x18: {  	s16 =	sand.u32 $0x380, s29;
	s30 =	sor.u32 s27, s22;
	s19 =	sshrl.u32 s19, $0x3;
	[tilespmem:s18+$0x2040 ss:$0x81] =	vst.msk $0xffff, v60  }
0x19: {  	s15 =	sadd.s32 s4, s15;
	s16 =	sor.u32 s16, s30;
	s19 =	sand.u32 $0x7FF00, s19;
	[tilespmem:s18+$0x2850 ss:$0x81] =	vst.msk $0xffff, v61  }
0x1a: {  	s14 =	sshll.u32 s31, $0x12;
	s16 =	sshrl.u32 s16, $0x3;
	[tilespmem:s18+$0x3060 ss:$0x81] =	vst.msk $0xffff, v62;
	s15 =	sadd.s32 s19, s15  }
0x1b: {  	s14 =	sor.u32 $0x400, s14;
	[tilespmem:s18+$0x0 ss:$0x81] =	vst.msk $0xffff, v63;
	s15 =	sadd.s32 s16, s15  }
0x1c: {  	[hbm4b:s15+s14] =	stream.strided.scatter [tilespmem:s17], [sflag:$0x2], $0x4000, s9, s14, $0x20;
	[tilespmem:$0x10100] =	vst v63  }
.LBB1_5:
0x1d: {  	s17 =	sadd.s32 $0x100, s10  }
0x1e: {  	s14 =	simm.s32 $0x1;
	p2 =	sgt.s32 s17, $0x7FF  }
0x1f: {  	s14 =	simm.s32 @!p2 $0x0  }
0x20: {  	s18 =	sadd.s32 s14, s11  }
0x21: {  	s20 =	smov.u32 s12;
	s14 =	sadd.s32 $0x800, s12;
	p3 =	sgt.s32 s18, $0x2  }
0x22: {  	s20 =	smov.u32 @p3 s14  }
0x23: {  	s17 =	smov.u32 @p2 s2;
	p2 =	sgt.s32 s20, $0x7FF  }
0x24: {  	p1 =	slt.u32 s13, $0x2;
	s20 =	smov.u32 @p2 s1;
	p2 =	sne.s32 s13, s8  }
.Ltmp1:
0x25: {  	s19 =	simm.s32 @!p1 $0x2;
	(pc) =	sbr.rel @!p2 .LBB1_6-.Ltmp1, $4  }
0x26: {  	s16 =	smov.u32 s10;
	s15 =	smov.u32 s11;
	_ =	swait.ge @!p1 [sflag:s19], $0x4000  }
0x27: {  	p0 =	por !p0, !p0;
	[sflag:s19] =	ssyncset.done @!p1 $0x0;
	s10 =	smov.u32 s17  }
0x28: {  	[sflag:s19] =	ssyncadd.s32 @!p1 $0xFFFFC000;
	s18 =	simm.s32 @p3 $0x0;
	s14 =	smov.u32 s12  }
0x29: {  	s11 =	smov.u32 s18;
	s13 =	sadd.s32 $0x1, s13;
	s12 =	smov.u32 s20  }
.LBB1_1:
0x2a: {  	p1 =	sge.u32 s13, s6  }
0x2b: {  	s17 =	sshll.u32 @!p1 s11, $0x7  }
0x2c: {  	s18 =	sand.u32 @!p1 $0x78, s10;
	s19 =	sshll.u32 @!p1 s10, $0x2;
	s17 =	sand.u32 @!p1 $0x180, s17  }
0x2d: {  	s31 =	sadd.s32 $0xFFFFFFFF, s13;
	s19 =	sand.u32 @!p1 $0x600, s19;
	s17 =	sor.u32 @!p1 s17, s18  }
0x2e: {  	s18 =	sshll.u32 @!p1 s12, $0xA;
	s17 =	sor.u32 @!p1 s19, s17;
	s19 =	sshrl.u32 @!p1 s10, $0x1  }
0x2f: {  	s20 =	sxor.u32 @!p1 $0xFFFFFFFF, s13;
	s18 =	sadd.s32 @!p1 s7, s18;
	s19 =	sand.u32 @!p1 $0x300, s19  }
0x30: {  	s20 =	sshll.u32 @!p1 s20, $0xE;
	s18 =	sadd.s32 @!p1 s19, s18;
	s19 =	sand.u32 @!p1 $0x7, s10  }
0x31: {  	s20 =	sand.u32 @!p1 $0x4000, s20;
	s17 =	sshrl.u32 @!p1 s17, $0x3;
	s19 =	sshll.u32 @!p1 s19, $0x12  }
0x32: {  	s17 =	sadd.s32 @!p1 s17, s18;
	s18 =	sor.u32 @!p1 $0x80, s19;
	s19 =	simm.s32 @!p1 $0x2000  }
0x33: {  	[tilespmem:s20], [sflag:$0x1] =	stream.strided.gather @!p1 [hbm4b:s17+s18], $0x4000, s19, s18, $0x38;
	[tilespmem:$0x10100] =	vst v63  }
0x34: {  	p1 =	sge.u32 s31, s6  }
.Ltmp2:
0x35: {  	_ = 	snop;
	(pc) =	sbr.rel @p1 .LBB1_5-.Ltmp2, $1  }
0x36: {  	_ =	sdelay $0x3  }
0x37: {  	s17 =	simm.s32 $0x1  }
0x38: {  	_ =	swait.ge [sflag:s5], $0x4000;
	s17 =	simm.s32 @!p0 $0x0  }
0x39: {  	[sflag:s5] =	ssyncset.done $0x0;
	s18 =	sshll.u32 s17, $0xE  }
0x3a: {  	[sflag:s5] =	ssyncadd.s32 $0xFFFFC000;
	s19 =	sor.u32 $0x40, s18  }
0x3b: {  	s17 =	smul.u32 $0x10200, s17;
	v0 =	vld [tilespmem:s19+$0x30]  }
0x3c: {  	v3 =	vld [tilespmem:s19+$0xFFFFFFD0]  }
0x3d: {  	s17 =	sshrl.u32 s17, $0x2;
	v4 =	vld [tilespmem:s19+$0xFFFFFFE0]  }
0x3e: {  	v5 =	vld [tilespmem:s19+$0xFFFFFFF0];
	s18 =	sor.u32 $0x8000, s17  }
0x3f: {  	s31 =	sand.u32 $0x1, s13;
	v1 =	vld [tilespmem:s19+$0x0];
	s20 =	sadd.s32 $0x0, s18  }
0x40: {  	v2 =	vld [tilespmem:s19+$0x10];
	s17 =	smul.u32 $0x10200, s31;
	[tilespmem:s20+$0x3870 ss:$0x81] =	vst.msk $0xffff, v0  }
0x41: {  	[tilespmem:s20+$0x810 ss:$0x81] =	vst.msk $0xffff, v3;
	v3 =	vld [tilespmem:s19+$0x20]  }
0x42: {  	s17 =	sshrl.u32 s17, $0x2;
	v0 =	vld [tilespmem:s19+$0xFFFFFFC0];
	[tilespmem:s20+$0x1020 ss:$0x81] =	vst.msk $0xffff, v4;
	s19 =	sadd.s32 $0x80, s19  }
0x43: {  	s21 =	simm.s32 $0x4;
	s22 =	simm.s32 $0x8;
	s17 =	sor.u32 $0x8000, s17;
	[tilespmem:s20+$0x1830 ss:$0x81] =	vst.msk $0xffff, v5;
	v4 =	vld [tilespmem:s19+$0x30]  }
.LBB1_3:
0x44: {  	p1 =	sne.s32 s22, $0x1FC;
	v5 =	vld [tilespmem:s19+$0xFFFFFFD0];
	[tilespmem:s20+$0x2040 ss:$0x81] =	vst.msk $0xffff, v1  }
0x45: {  	v6 =	vld [tilespmem:s19+$0xFFFFFFE0];
	[tilespmem:s20+$0x2850 ss:$0x81] =	vst.msk $0xffff, v2  }
0x46: {  	s23 =	sshra.s32 s21, $0x2;
	s21 =	smov.u32 s22;
	v7 =	vld [tilespmem:s19+$0xFFFFFFF0];
	[tilespmem:s20+$0x3060 ss:$0x81] =	vst.msk $0xffff, v3  }
.Ltmp3:
0x47: {  	v1 =	vld [tilespmem:s19+$0x0];
	[tilespmem:s20+$0x0 ss:$0x81] =	vst.msk $0xffff, v0;
	s20 =	sadd.s32 s23, s18;
	(pc) =	sbr.rel @p1 .LBB1_3-.Ltmp3, $4  }
0x48: {  	v2 =	vld [tilespmem:s19+$0x10];
	[tilespmem:s20+$0x3870 ss:$0x81] =	vst.msk $0xffff, v4  }
0x49: {  	[tilespmem:s20+$0x810 ss:$0x81] =	vst.msk $0xffff, v5;
	v3 =	vld [tilespmem:s19+$0x20]  }
0x4a: {  	v0 =	vld [tilespmem:s19+$0xFFFFFFC0];
	[tilespmem:s20+$0x1020 ss:$0x81] =	vst.msk $0xffff, v6;
	s19 =	sadd.s32 $0x80, s19  }
0x4b: {  	s22 =	sadd.s32 $0x4, s22;
	v4 =	vld [tilespmem:s19+$0x30];
	[tilespmem:s20+$0x1830 ss:$0x81] =	vst.msk $0xffff, v7  }
.Ltmp4:
0x4c: {  	_ = 	snop;
	(pc) =	sbr.rel .LBB1_4-.Ltmp4, $1  }
0x4d: {  	_ =	sdelay $0x3  }
.LBB1_6:
0x4e: {  	_ =	sfence.sel $0x180000  }
0x4f: {  	s1 =	simm.s32 $0x1;
	[bflag:$0x0] =	sbarrier.arrive $0xFFFF  }
0x50: {  	s31 =	simm.s32 $0x2;
	[sflag:s1] =	ssyncpa.u1 $0x1  }
0x51: {  	[sflag:s31] =	ssyncpa.u1 $0x1  }
0x52: {  	p0 =	sne.s32 s0, $0x0;
	_ =	strace $0x90000047  }
0x53: {  	s0 =	sadd.s32 @!p0 $0x100000, s3;
	[bflag:$0x2] =	sbarrier.arrive $0xFFFF  }
0x54: {  	[sflag:s0] =	ssyncadd.tile.s32 @!p0 $0x1;
	_ =	shalt  }
.Lfunc_end1:
_tile_overlayer_lowered:
.L_overlay_start_2:
0x55: {  	(tag) =	ssettag $0x2  }
0x56: {  	s0 =	rddreg [dreg:$0x0];
	s2 =	stileid.u32  }
0x57: {  	s1 =	rddreg [dreg:$0x1];
	p0 =	sne.s32 s2, $0x0  }
0x58: {  	s3 =	rddreg [dreg:$0x2];
	[bflag:$0x3] =	sbarrier.arrive $0xFFFF;
	s2 =	simm.s32 @!p0 $0x1C01  }
0x59: {  	[timem:s3], [sflag:s2] =	dma.local @!p0 [hbm:s0], s1  }
0x5a: {  	s0 =	simm.s32 @!p0 $0x1  }
0x5b: {  	_ =	swait.ge @!p0 [sflag:s0], s1  }
0x5c: {  	s1 =	ssub.s32 @!p0 $0x0, s1;
	[sflag:s0] =	ssyncset.done @!p0 $0x0  }
0x5d: {  	[sflag:s0] =	ssyncadd.s32 @!p0 s1  }
0x5e: {  	[bflag:$0x3] =	sbarrier.arrive $0xFFFF  }
0x5f: {  	_ =	shalt  }

// kernel: sparse-core-data-format-call.cloned.1.call-start
scs
called_computation_lowered:
.L_overlay_start_0:
0x0: {  	s2 =	sld [smem:$0x3FD9]  }
0x1: {  	s3 =	sld [smem:$0x3FFE];
	_ =	sdelay $0x1  }
0x2: {  	s1 =	srdreg.scid  }
0x3: {  	s0 =	sand.u32 $0x1, s1  }
0x4: {  	s16 =	sshll.u32 s0, $0xA;
	s2 =	sadd.s32 s3, s2  }
0x5: {  	s2 =	sadd.s32 s2, s16  }
0x6: {  	[smem:$0x3FC6] =	sst s2  }
0x7: {  	_ = 	snop  }
0x8: {  	s2 =	sld [smem:$0x3FD0];
	_ =	sdelay $0x2  }
0x9: {  	s17 =	simm.s32 $0xB;
	s4 =	simm.s32 $0x10  }
0xa: {  	[smem:s4], [sflag:s17] =	dma.local [hbm:s2], $0x1  }
0xb: {  	_ =	swait.eq [sflag:s17], $0x1  }
0xc: {  	[sflag:s17] =	ssyncset.done $0x0  }
0xd: {  	[sflag:s17] =	ssyncadd.s32 $0xFFFFFFFF  }
0xe: {  	s18 =	sld [smem:$0x12];
	(tm) =	ssettm $0x1  }
0xf: {  	s19 =	sld [smem:$0x3FFB];
	_ =	sdelay $0x3  }
0x10: {  	_ =	strace s19  }
0x11: {  	s2 =	sld [smem:$0x3FFC];
	_ =	sdelay $0x3  }
0x12: {  	_ =	strace s2  }
0x13: {  	s2 =	sld [smem:$0x3FFD];
	_ =	sdelay $0x3  }
0x14: {  	_ =	strace s2  }
0x15: {  	_ =	strace $0x8FFFFFFF  }
0x16: {  	s20 =	sld [smem:$0x3FDB];
	_ =	sdelay $0x1  }
0x17: {  	s21 =	simm.s32 $_scs_section_size  }
0x18: {  	s5 =	simm.s32 $_size__tile_overlayer_lowered;
	s6 =	simm.s32 $_tile_overlayer_lowered  }
0x19: {  	s7 =	simm.s32 $0x1BFF;
	s22 =	sshll.u32 s6, $0x1;
	s4 =	sadd.s32 s21, s20  }
0x1a: {  	s23 =	simm.s32 $0x0;
	s5 =	sshll.u32 s5, $0x1;
	s6 =	sadd.s32 s22, s4  }
0x1b: {  	[timem:s23], [sflag:s7] =	dma.local [hbm:s6], s5  }
0x1c: {  	_ =	swait.ge [sflag:s7], s5  }
0x1d: {  	s5 =	ssub.s32 $0x0, s5;
	[sflag:s7] =	ssyncset.done $0x0  }
0x1e: {  	[sflag:s7] =	ssyncadd.s32 s5;
	_ =	sdelay $0x1  }
0x1f: {  	s24 =	simm.s32 $0x1B8B  }
0x20: {  	_ =	swait.ge [sflag:s24], $0x1  }
0x21: {  	[sflag:s24] =	ssyncset.done $0x0  }
0x22: {  	[sflag:s24] =	ssyncadd.s32 $0xFFFFFFFF  }
0x23: {  	s5 =	sld [smem:$0x0]  }
0x24: {  	s6 =	sand.u32 $0xFFFFFFFE, s1  }
0x25: {  	p0 =	sne.s32 s1, s6  }
0x26: {  	s6 =	sshll.u32 @p0 s6, $0xE  }
0x27: {  	s6 =	sadd.s32 @p0 $0x11B8D, s6;
	s7 =	sshll.u32 @p0 s5, $0x11  }
0x28: {  	s6 =	sor.u32 @p0 s7, s6  }
0x29: {  	[sflag:s6] =	ssyncadd.remote.s32 @p0 $0x1;
	_ =	sdelay $0x1  }
0x2a: {  	s6 =	simm.s32 @p0 $0x1B8D  }
0x2b: {  	_ =	swait.eq @p0 [sflag:s6], $0x1  }
0x2c: {  	[sflag:s6] =	ssyncadd.s32 @p0 $0xFFFFFFFF  }
0x2d: {  	s7 =	sshll.u32 @!p0 s1, $0xE  }
0x2e: {  	s7 =	sor.u32 @!p0 $0x4000, s7;
	s6 =	simm.s32 @!p0 $0x1B8D  }
0x2f: {  	s5 =	sshll.u32 @!p0 s5, $0x11;
	s7 =	sadd.s32 @!p0 $0x11B8D, s7;
	_ =	swait.eq @!p0 [sflag:s6], $0x1  }
0x30: {  	s5 =	sor.u32 @!p0 s5, s7;
	[sflag:s6] =	ssyncadd.s32 @!p0 $0xFFFFFFFF  }
0x31: {  	s26 =	simm.s32 $0x1B8E;
	s25 =	sld [smem:$0x3FFE];
	[sflag:s5] =	ssyncadd.remote.s32 @!p0 $0x1  }
0x32: {  	s27 =	simm.s32 $execute0_lowered;
	[smem:$0x3FD2] =	sst s26  }
0x33: {  	s6 =	sshll.u32 s27, $0x1;
	_ =	strace $0x80000049;
	[dreg:$0x1] =	wrdreg $0xFFFFFFFF  }
0x34: {  	s28 =	simm.s32 $_size_execute0_lowered;
	s4 =	sadd.s32 s4, s6;
	[dreg:$0x0] =	wrdreg $0x0  }
0x35: {  	s6 =	sshll.u32 s28, $0x1;
	[dreg:$0x2] =	wrdreg s4  }
0x36: {  	[dreg:$0x3] =	wrdreg s6  }
0x37: {  	[dreg:$0x4] =	wrdreg $0xC0  }
0x38: {  	_ =	task [dreg:s23], $0x5FFFF  }
0x39: {  	[dreg:$0x1] =	wrdreg $0xFFFFFFFF  }
0x3a: {  	[dreg:$0x0] =	wrdreg $0x60  }
0x3b: {  	[dreg:$0x2] =	wrdreg s25  }
0x3c: {  	[dreg:$0x3] =	wrdreg s18  }
0x3d: {  	[dreg:$0x4] =	wrdreg $0x9  }
0x3e: {  	_ =	task.clear_ibuf [dreg:s23], $0x5FFFF;
	_ =	strace $0x90000049  }
0x3f: {  	s29 =	simm.s32 $0x9;
	_ =	strace $0x8000004B  }
0x40: {  	_ =	swait.ge [sflag:s29], $0x1  }
0x41: {  	[sflag:s29] =	ssyncadd.s32 $0xFFFFFFFF  }
0x42: {  	_ =	strace $0x9000004B  }
0x43: {  	_ =	sfence  }
0x44: {  	s30 =	sld [smem:$0x0];
	_ =	sdelay $0x2  }
0x45: {  	s31 =	sshll.u32 s1, $0xD;
	s1 =	sshrl.u32 s1, $0x2  }
0x46: {  	s4 =	sand.u32 $0x4000, s31;
	s1 =	sadd.s32 s1, s30  }
0x47: {  	s0 =	sor.u32 s4, s0;
	s1 =	sshll.u32 s1, $0x11  }
0x48: {  	s0 =	sor.u32 s1, s0  }
0x49: {  	s0 =	sadd.s32 $0x8F2B, s0  }
0x4a: {  	[sflag:s0] =	ssyncadd.remote.s32 $0x1  }
0x4b: {  	_ =	sfence.sel $0xFFFF  }
0x4c: {  	[dreg:$0x0] =	wrdreg $0xFFFFFFFF;
	(pc) =	sbr.abs _section_cstart, $3  }
0x4d: {  	[dreg:$0x1] =	wrdreg $0xFFFFFFFF  }
0x4e: {  	_ =	task.clear_ibuf [dreg:s23], $0x2FFFF;
	_ =	strace $0x9FFFFFFF  }
0x4f: {  	(tm) =	ssettm $0x7FFFFFFF  }
tec
execute0_lowered:
.L_overlay_start_1:
0x0: {  	(tag) =	ssettag $0x1  }
0x1: {  	s0 =	stileid.u32  }
0x2: {  	s2 =	srdreg.scid;
	s7 =	rddreg [dreg:$0x0]  }
0x3: {  	s8 =	simm.s32 $0x2;
	s1 =	sshll.u32 s0, $0x7;
	s2 =	sshll.u32 s2, $0x7  }
0x4: {  	s16 =	simm.s32 $0x0;
	s2 =	sand.u32 $0x80, s2;
	s3 =	ssub.s32 $0x800, s1  }
0x5: {  	s4 =	sshrl.u32 s3, $0xB;
	s3 =	sand.u32 $0x780, s3;
	s5 =	ssub.s32 $0x800, s2  }
0x6: {  	p0 =	sne.s32 s3, $0x0;
	s3 =	simm.s32 $0x1;
	s6 =	sshrl.u32 s5, $0x7  }
0x7: {  	s5 =	sshrl.u32 s5, $0x8;
	s3 =	simm.s32 @!p0 $0x0;
	s6 =	sand.u32 $0x1, s6  }
0x8: {  	s9 =	simm.s32 $0x4000;
	s3 =	sadd.s32 s3, s4;
	s5 =	sadd.s32 s5, s6  }
0x9: {  	s15 =	simm.s32 $0x0;
	s14 =	simm.s32 $0x0;
	s6 =	smul.u32 s5, s3  }
.Ltmp0:
0xa: {  	s11 =	simm.s32 $0x0;
	s4 =	rddreg [dreg:$0x1];
	(pc) =	sbr.rel .LBB1_1-.Ltmp0, $4  }
0xb: {  	s13 =	simm.s32 $0x0;
	s7 =	sadd.s32 $0x381200, s7;
	s3 =	rddreg [dreg:$0x2]  }
0xc: {  	_ =	strace $0x8000004A;
	s5 =	simm.s32 $0x1;
	s6 =	smul.u32 $0x3, s6  }
0xd: {  	s12 =	smov.u32 s1;
	s10 =	smov.u32 s2;
	[sflag:s5] =	ssyncpa.u1 $0x0  }
0xe: {  	p0 =	por $0x0, $0x0;
	[sflag:s8] =	ssyncpa.u1 $0x0;
	s8 =	sadd.s32 $0x1, s6  }
.LBB1_4:
0xf: {  	v5 =	vld [tilespmem:s19+$0xFFFFFFD0]  }
0x10: {  	[tilespmem:s20+$0x2040 ss:$0x81] =	vst.msk $0xffff, v1;
	v58 =	vld [tilespmem:s19+$0xFFFFFFE0]  }
0x11: {  	[tilespmem:s20+$0x2850 ss:$0x81] =	vst.msk $0xffff, v2;
	v59 =	vld [tilespmem:s19+$0xFFFFFFF0]  }
0x12: {  	s21 =	sshra.s32 s21, $0x2;
	[tilespmem:s20+$0x3060 ss:$0x81] =	vst.msk $0xffff, v3;
	v60 =	vld [tilespmem:s19+$0x0]  }
0x13: {  	[tilespmem:s20+$0x0 ss:$0x81] =	vst.msk $0xffff, v0;
	v61 =	vld [tilespmem:s19+$0x10];
	s18 =	sadd.s32 s21, s18  }
0x14: {  	s26 =	sshll.u32 s16, $0xB;
	v62 =	vld [tilespmem:s19+$0x20];
	[tilespmem:s18+$0x3870 ss:$0x81] =	vst.msk $0xffff, v4  }
0x15: {  	s27 =	sand.u32 $0x78, s14;
	s22 =	sshll.u32 s14, $0x3;
	v63 =	vld [tilespmem:s19+$0xFFFFFFC0];
	s29 =	sshll.u32 s16, $0x7;
	[tilespmem:s18+$0x810 ss:$0x81] =	vst.msk $0xffff, v5  }
0x16: {  	s15 =	sshll.u32 s15, $0x13;
	s20 =	sand.u32 $0x3FC000, s26;
	s28 =	sand.u32 $0x3FFC00, s22;
	[tilespmem:s18+$0x1020 ss:$0x81] =	vst.msk $0xffff, v58  }
0x17: {  	s31 =	sand.u32 $0x7, s14;
	s22 =	sand.u32 $0x400, s22;
	s19 =	sadd.s32 s28, s20;
	[tilespmem:s18+$0x1830 ss:$0x81] =	vst.msk $0xffff, v59  }
0x18: {  	s16 =	sand.u32 $0x380, s29;
	s30 =	sor.u32 s27, s22;
	s19 =	sshrl.u32 s19, $0x3;
	[tilespmem:s18+$0x2040 ss:$0x81] =	vst.msk $0xffff, v60  }
0x19: {  	s15 =	sadd.s32 s4, s15;
	s16 =	sor.u32 s16, s30;
	s19 =	sand.u32 $0x7FF00, s19;
	[tilespmem:s18+$0x2850 ss:$0x81] =	vst.msk $0xffff, v61  }
0x1a: {  	s14 =	sshll.u32 s31, $0x12;
	s16 =	sshrl.u32 s16, $0x3;
	[tilespmem:s18+$0x3060 ss:$0x81] =	vst.msk $0xffff, v62;
	s15 =	sadd.s32 s19, s15  }
0x1b: {  	s14 =	sor.u32 $0x400, s14;
	[tilespmem:s18+$0x0 ss:$0x81] =	vst.msk $0xffff, v63;
	s15 =	sadd.s32 s16, s15  }
0x1c: {  	[hbm4b:s15+s14] =	stream.strided.scatter [tilespmem:s17], [sflag:$0x2], $0x4000, s9, s14, $0x20;
	[tilespmem:$0x10100] =	vst v63  }
.LBB1_5:
0x1d: {  	s17 =	sadd.s32 $0x100, s10  }
0x1e: {  	s14 =	simm.s32 $0x1;
	p2 =	sgt.s32 s17, $0x7FF  }
0x1f: {  	s14 =	simm.s32 @!p2 $0x0  }
0x20: {  	s18 =	sadd.s32 s14, s11  }
0x21: {  	s20 =	smov.u32 s12;
	s14 =	sadd.s32 $0x800, s12;
	p3 =	sgt.s32 s18, $0x2  }
0x22: {  	s20 =	smov.u32 @p3 s14  }
0x23: {  	s17 =	smov.u32 @p2 s2;
	p2 =	sgt.s32 s20, $0x7FF  }
0x24: {  	p1 =	slt.u32 s13, $0x2;
	s20 =	smov.u32 @p2 s1;
	p2 =	sne.s32 s13, s8  }
.Ltmp1:
0x25: {  	s19 =	simm.s32 @!p1 $0x2;
	(pc) =	sbr.rel @!p2 .LBB1_6-.Ltmp1, $4  }
0x26: {  	s16 =	smov.u32 s10;
	s15 =	smov.u32 s11;
	_ =	swait.ge @!p1 [sflag:s19], $0x4000  }
0x27: {  	p0 =	por !p0, !p0;
	[sflag:s19] =	ssyncset.done @!p1 $0x0;
	s10 =	smov.u32 s17  }
0x28: {  	[sflag:s19] =	ssyncadd.s32 @!p1 $0xFFFFC000;
	s18 =	simm.s32 @p3 $0x0;
	s14 =	smov.u32 s12  }
0x29: {  	s11 =	smov.u32 s18;
	s13 =	sadd.s32 $0x1, s13;
	s12 =	smov.u32 s20  }
.LBB1_1:
0x2a: {  	p1 =	sge.u32 s13, s6  }
0x2b: {  	s17 =	sshll.u32 @!p1 s11, $0x7  }
0x2c: {  	s18 =	sand.u32 @!p1 $0x78, s10;
	s19 =	sshll.u32 @!p1 s10, $0x2;
	s17 =	sand.u32 @!p1 $0x180, s17  }
0x2d: {  	s31 =	sadd.s32 $0xFFFFFFFF, s13;
	s19 =	sand.u32 @!p1 $0x600, s19;
	s17 =	sor.u32 @!p1 s17, s18  }
0x2e: {  	s18 =	sshll.u32 @!p1 s12, $0xA;
	s17 =	sor.u32 @!p1 s19, s17;
	s19 =	sshrl.u32 @!p1 s10, $0x1  }
0x2f: {  	s20 =	sxor.u32 @!p1 $0xFFFFFFFF, s13;
	s18 =	sadd.s32 @!p1 s7, s18;
	s19 =	sand.u32 @!p1 $0x300, s19  }
0x30: {  	s20 =	sshll.u32 @!p1 s20, $0xE;
	s18 =	sadd.s32 @!p1 s19, s18;
	s19 =	sand.u32 @!p1 $0x7, s10  }
0x31: {  	s20 =	sand.u32 @!p1 $0x4000, s20;
	s17 =	sshrl.u32 @!p1 s17, $0x3;
	s19 =	sshll.u32 @!p1 s19, $0x12  }
0x32: {  	s17 =	sadd.s32 @!p1 s17, s18;
	s18 =	sor.u32 @!p1 $0x80, s19;
	s19 =	simm.s32 @!p1 $0x2000  }
0x33: {  	[tilespmem:s20], [sflag:$0x1] =	stream.strided.gather @!p1 [hbm4b:s17+s18], $0x4000, s19, s18, $0x38;
	[tilespmem:$0x10100] =	vst v63  }
0x34: {  	p1 =	sge.u32 s31, s6  }
.Ltmp2:
0x35: {  	_ = 	snop;
	(pc) =	sbr.rel @p1 .LBB1_5-.Ltmp2, $1  }
0x36: {  	_ =	sdelay $0x3  }
0x37: {  	s17 =	simm.s32 $0x1  }
0x38: {  	_ =	swait.ge [sflag:s5], $0x4000;
	s17 =	simm.s32 @!p0 $0x0  }
0x39: {  	[sflag:s5] =	ssyncset.done $0x0;
	s18 =	sshll.u32 s17, $0xE  }
0x3a: {  	[sflag:s5] =	ssyncadd.s32 $0xFFFFC000;
	s19 =	sor.u32 $0x40, s18  }
0x3b: {  	s17 =	smul.u32 $0x10200, s17;
	v0 =	vld [tilespmem:s19+$0x30]  }
0x3c: {  	v3 =	vld [tilespmem:s19+$0xFFFFFFD0]  }
0x3d: {  	s17 =	sshrl.u32 s17, $0x2;
	v4 =	vld [tilespmem:s19+$0xFFFFFFE0]  }
0x3e: {  	v5 =	vld [tilespmem:s19+$0xFFFFFFF0];
	s18 =	sor.u32 $0x8000, s17  }
0x3f: {  	s31 =	sand.u32 $0x1, s13;
	v1 =	vld [tilespmem:s19+$0x0];
	s20 =	sadd.s32 $0x0, s18  }
0x40: {  	v2 =	vld [tilespmem:s19+$0x10];
	s17 =	smul.u32 $0x10200, s31;
	[tilespmem:s20+$0x3870 ss:$0x81] =	vst.msk $0xffff, v0  }
0x41: {  	[tilespmem:s20+$0x810 ss:$0x81] =	vst.msk $0xffff, v3;
	v3 =	vld [tilespmem:s19+$0x20]  }
0x42: {  	s17 =	sshrl.u32 s17, $0x2;
	v0 =	vld [tilespmem:s19+$0xFFFFFFC0];
	[tilespmem:s20+$0x1020 ss:$0x81] =	vst.msk $0xffff, v4;
	s19 =	sadd.s32 $0x80, s19  }
0x43: {  	s21 =	simm.s32 $0x4;
	s22 =	simm.s32 $0x8;
	s17 =	sor.u32 $0x8000, s17;
	[tilespmem:s20+$0x1830 ss:$0x81] =	vst.msk $0xffff, v5;
	v4 =	vld [tilespmem:s19+$0x30]  }
.LBB1_3:
0x44: {  	p1 =	sne.s32 s22, $0x1FC;
	v5 =	vld [tilespmem:s19+$0xFFFFFFD0];
	[tilespmem:s20+$0x2040 ss:$0x81] =	vst.msk $0xffff, v1  }
0x45: {  	v6 =	vld [tilespmem:s19+$0xFFFFFFE0];
	[tilespmem:s20+$0x2850 ss:$0x81] =	vst.msk $0xffff, v2  }
0x46: {  	s23 =	sshra.s32 s21, $0x2;
	s21 =	smov.u32 s22;
	v7 =	vld [tilespmem:s19+$0xFFFFFFF0];
	[tilespmem:s20+$0x3060 ss:$0x81] =	vst.msk $0xffff, v3  }
.Ltmp3:
0x47: {  	v1 =	vld [tilespmem:s19+$0x0];
	[tilespmem:s20+$0x0 ss:$0x81] =	vst.msk $0xffff, v0;
	s20 =	sadd.s32 s23, s18;
	(pc) =	sbr.rel @p1 .LBB1_3-.Ltmp3, $4  }
0x48: {  	v2 =	vld [tilespmem:s19+$0x10];
	[tilespmem:s20+$0x3870 ss:$0x81] =	vst.msk $0xffff, v4  }
0x49: {  	[tilespmem:s20+$0x810 ss:$0x81] =	vst.msk $0xffff, v5;
	v3 =	vld [tilespmem:s19+$0x20]  }
0x4a: {  	v0 =	vld [tilespmem:s19+$0xFFFFFFC0];
	[tilespmem:s20+$0x1020 ss:$0x81] =	vst.msk $0xffff, v6;
	s19 =	sadd.s32 $0x80, s19  }
0x4b: {  	s22 =	sadd.s32 $0x4, s22;
	v4 =	vld [tilespmem:s19+$0x30];
	[tilespmem:s20+$0x1830 ss:$0x81] =	vst.msk $0xffff, v7  }
.Ltmp4:
0x4c: {  	_ = 	snop;
	(pc) =	sbr.rel .LBB1_4-.Ltmp4, $1  }
0x4d: {  	_ =	sdelay $0x3  }
.LBB1_6:
0x4e: {  	_ =	sfence.sel $0x180000  }
0x4f: {  	s1 =	simm.s32 $0x1;
	[bflag:$0x0] =	sbarrier.arrive $0xFFFF  }
0x50: {  	s31 =	simm.s32 $0x2;
	[sflag:s1] =	ssyncpa.u1 $0x1  }
0x51: {  	[sflag:s31] =	ssyncpa.u1 $0x1  }
0x52: {  	p0 =	sne.s32 s0, $0x0;
	_ =	strace $0x9000004A  }
0x53: {  	s0 =	sadd.s32 @!p0 $0x100000, s3;
	[bflag:$0x2] =	sbarrier.arrive $0xFFFF  }
0x54: {  	[sflag:s0] =	ssyncadd.tile.s32 @!p0 $0x1;
	_ =	shalt  }
.Lfunc_end1:
_tile_overlayer_lowered:
.L_overlay_start_2:
0x55: {  	(tag) =	ssettag $0x2  }
0x56: {  	s0 =	rddreg [dreg:$0x0];
	s2 =	stileid.u32  }
0x57: {  	s1 =	rddreg [dreg:$0x1];
	p0 =	sne.s32 s2, $0x0  }
0x58: {  	s3 =	rddreg [dreg:$0x2];
	[bflag:$0x3] =	sbarrier.arrive $0xFFFF;
	s2 =	simm.s32 @!p0 $0x1C01  }
0x59: {  	[timem:s3], [sflag:s2] =	dma.local @!p0 [hbm:s0], s1  }
0x5a: {  	s0 =	simm.s32 @!p0 $0x1  }
0x5b: {  	_ =	swait.ge @!p0 [sflag:s0], s1  }
0x5c: {  	s1 =	ssub.s32 @!p0 $0x0, s1;
	[sflag:s0] =	ssyncset.done @!p0 $0x0  }
0x5d: {  	[sflag:s0] =	ssyncadd.s32 @!p0 s1  }
0x5e: {  	[bflag:$0x3] =	sbarrier.arrive $0xFFFF  }
0x5f: {  	_ =	shalt  }

</sc_bundles>
